<compile_context>
chip_gen: v7x
topology: tpu7x:2x2x1
jax: 0.10.2.dev20260603
libtpu: 0.0.44.dev20260713+nightly
codegen_flags: <defaults>
</compile_context>

<pallas_src>
import functools

import jax
import jax.numpy as jnp
from jax import lax
from jax.experimental import pallas as pl
from jax.experimental.pallas import tpu as pltpu
from jax.experimental.pallas import tpu_sc as plsc

_EPS2 = 1e-6
_NBD = 4096
_NBC = 512
_IMAX = 2**31 - 1


def _fused_body(p8_ref, mt_ref, iota_ref, u_ref, cin_ref, lw_ref,
                bestd_ref, besti_ref, free_ref):
    i = pl.program_id(0)
    gd = pl.num_programs(0) - 1
    nb = mt_ref.shape[1]
    b = p8_ref.shape[0]
    f32 = jnp.float32

    @pl.when(i < gd)
    def _():
        mt = mt_ref[...]
        s = jnp.dot(p8_ref[...], mt, preferred_element_type=f32)
        msqc = jnp.sum(mt * mt, axis=0, keepdims=True)
        d2c = s + msqc
        dmin = jnp.min(d2c, axis=1, keepdims=True)
        key = jax.lax.bitcast_convert_type(d2c, jnp.int32)
        key = (key & ~(nb - 1)) | iota_ref[...]
        cand = (jnp.min(key, axis=1, keepdims=True) & (nb - 1)) + i * nb

        @pl.when(i == 0)
        def _():
            bestd_ref[...] = dmin
            besti_ref[...] = cand

        @pl.when(i > 0)
        def _():
            prev = bestd_ref[...]
            better = dmin < prev
            bestd_ref[...] = jnp.where(better, dmin, prev)
            besti_ref[...] = jnp.where(better, cand, besti_ref[...])

    @pl.when(i == gd)
    def _():
        gc, _, nbc = u_ref.shape

        umin = jnp.min(u_ref[...])
        free_ref[...] = jnp.zeros_like(free_ref)
        tri = (jax.lax.broadcasted_iota(jnp.int32, (nbc, nbc), 0)
               <= jax.lax.broadcasted_iota(jnp.int32, (nbc, nbc), 1)
               ).astype(f32)
        rio = jax.lax.broadcasted_iota(jnp.int32, (b, nbc), 0).astype(f32)
        gj8 = jax.lax.broadcasted_iota(jnp.int32, (nbc, 8), 0).astype(f32)

        def body(j, c0):
            m = u_ref[j] == umin

            @pl.when(c0 < b)
            def _():
                mf = m.astype(f32)
                pos = jnp.dot(mf, tri, preferred_element_type=f32)
                pos = pos + c0.astype(f32)
                a = jnp.where((rio + 1.0 == jnp.broadcast_to(pos, (b, nbc)))
                              & jnp.broadcast_to(m, (b, nbc)), 1.0, 0.0)
                gj = gj8 + (j * nbc).astype(f32)
                free_ref[...] = free_ref[...] + jnp.dot(
                    a, gj, preferred_element_type=f32,
                    precision=jax.lax.Precision.HIGHEST)

            return c0 + jnp.sum(m.astype(jnp.int32))

        jax.lax.fori_loop(0, gc, body, jnp.int32(0))

        eye = (jax.lax.broadcasted_iota(jnp.int32, (b, b), 0)
               == jax.lax.broadcasted_iota(jnp.int32, (b, b), 1)).astype(f32)
        iot0 = jax.lax.broadcasted_iota(jnp.int32, (b, b), 0).astype(f32)
        iot1 = jax.lax.broadcasted_iota(jnp.int32, (b, b), 1).astype(f32)

        p8 = p8_ref[...]
        psq = jnp.sum(p8 * p8, axis=1, keepdims=True) * 0.25
        cbc = jnp.broadcast_to(cin_ref[0:1, 0:1], (b, 1))
        mask = bestd_ref[...] > cbc - psq + 2e-5
        mf = mask.astype(f32)
        ltri = (iot1 <= iot0)
        cum = jnp.dot(ltri.astype(f32), mf, preferred_element_type=f32)
        rank = jnp.clip(cum - 1.0, 0.0, float(b - 1))
        o1 = (iot1 == jnp.broadcast_to(rank, (b, b))).astype(f32)
        fsel8 = jnp.dot(o1, free_ref[...], preferred_element_type=f32,
                        precision=jax.lax.Precision.HIGHEST)
        idx = jnp.where(mask, fsel8[:, 0:1], besti_ref[...].astype(f32))
        idx_row = jnp.sum(eye * jnp.broadcast_to(idx, (b, b)), axis=0,
                          keepdims=True)
        e = (jnp.broadcast_to(idx, (b, b))
             == jnp.broadcast_to(idx_row, (b, b)))
        lw_col = jnp.max(jnp.where(e, iot1, -1.0), axis=1, keepdims=True)
        lw_ref[...] = lw_col.astype(jnp.int32)


@functools.lru_cache(maxsize=None)
def _sc_gather(b, f):
    info = plsc.get_sparse_core_info()
    nw = info.num_cores * info.num_subcores
    bw = b // nw
    mesh = plsc.VectorSubcoreMesh(core_axis_name="c", subcore_axis_name="s")

    @functools.partial(
        pl.kernel, mesh=mesh,
        out_type=jax.ShapeDtypeStruct((b, f), jnp.float32),
        scratch_types=[
            pltpu.VMEM((bw,), jnp.int32),
            pltpu.VMEM((bw, f), jnp.float32),
            pltpu.SemaphoreType.DMA,
        ],
    )
    def k(idx_hbm, table_hbm, out_hbm, idx_v, rows_v, sem):
        wid = lax.axis_index("s") * info.num_cores + lax.axis_index("c")
        base = wid * bw
        pltpu.sync_copy(idx_hbm.at[pl.ds(base, bw)], idx_v)
        pltpu.async_copy(table_hbm.at[idx_v], rows_v, sem).wait()
        pltpu.sync_copy(rows_v, out_hbm.at[pl.ds(base, bw)])

    return k


@jax.jit
def kernel(points, descriptors, mem_points, mem_descriptors, usage):
    del mem_descriptors
    b = points.shape[0]
    n = mem_points.shape[0]
    f = descriptors.shape[1]
    gd = (n + _NBD - 1) // _NBD
    npad = gd * _NBD
    gc = npad // _NBC

    psq = jnp.sum(points * points, axis=1)
    khalf = jnp.ceil(jnp.log2(jnp.max(psq) + 2.0) * 0.5)
    cshift = jnp.exp2(2.0 * khalf)
    mt = jnp.full((8, npad), 0.0, jnp.float32)
    mt = mt.at[:3, :n].set(mem_points.T).at[:3, n:].set(1e18)
    mt = mt.at[3, :].set(jnp.exp2(khalf))
    p8 = jnp.zeros((b, 8), jnp.float32).at[:, :3].set(points * -2.0)
    u_r = jnp.full((npad,), _IMAX, jnp.int32).at[:n].set(usage).reshape(
        gc, 1, _NBC)
    iota_c = jnp.arange(_NBD, dtype=jnp.int32)[None, :]
    cin = jnp.full((1, 128), cshift, jnp.float32)

    lw = pl.pallas_call(
        _fused_body,
        grid=(gd + 1,),
        in_specs=[
            pl.BlockSpec((b, 8), lambda i: (0, 0)),
            pl.BlockSpec((8, _NBD), lambda i: (0, jnp.minimum(i, gd - 1))),
            pl.BlockSpec((1, _NBD), lambda i: (0, 0)),
            pl.BlockSpec((gc, 1, _NBC), lambda i: (0, 0, 0)),
            pl.BlockSpec((1, 128), lambda i: (0, 0)),
        ],
        out_specs=pl.BlockSpec((b, 1), lambda i: (0, 0)),
        out_shape=jax.ShapeDtypeStruct((b, 1), jnp.int32),
        scratch_shapes=[
            pltpu.VMEM((b, 1), jnp.float32),
            pltpu.VMEM((b, 1), jnp.int32),
            pltpu.VMEM((b, 8), jnp.float32),
        ],
    )(p8, mt, iota_c, u_r, cin)

    return _sc_gather(b, f)(lw.reshape(b), descriptors)

# --- scband reference (transcript-rebuilt; emitter-appended) ---
"""Pipeline reference for scband-memory-35235911696939 (READ-ONLY COPY).

The authoritative reference and input builder live on the scoring server;
editing this copy changes nothing except your own understanding.
"""

import jax, jax.numpy as jnp
import numpy as np

EPS = 1e-3
MOMENTUM = 0.999

N, F, B = 100000, 256, 1024

def setup_inputs(seed: int = 0):
    key = jax.random.key(seed)
    k1, k2 = jax.random.split(key)
    points = jax.random.normal(k1, (B, 3), dtype=jnp.float32)
    descriptors = jax.random.normal(k2, (B, F), dtype=jnp.float32)
    mem_points = jnp.full((N, 3), 1e7, dtype=jnp.float32)
    mem_descriptors = jnp.zeros((N, F), dtype=jnp.float32)
    usage = jnp.zeros((N,), dtype=jnp.int32)
    return {"points": points, "descriptors": descriptors,
            "mem_points": mem_points, "mem_descriptors": mem_descriptors,
            "usage": usage}

def _cdist(a, b):
    d2 = jnp.sum(a * a, axis=1)[:, None] + jnp.sum(b * b, axis=1)[None, :] - 2.0 * (a @ b.T)
    return jnp.sqrt(jnp.maximum(d2, 0.0))

def _point_address(points, mem_points, usage):
    d = _cdist(points, mem_points)
    dist = jnp.min(d, axis=-1)
    idx = jnp.argmin(d, axis=-1)
    mask = dist > EPS
    kmax = mask.shape[0]
    _, free_idx = jax.lax.top_k(-usage, kmax)  # smallest-usage slots (largest=False topk)
    rank = jnp.cumsum(mask.astype(jnp.int32)) - 1
    rank = jnp.clip(rank, 0, kmax - 1)
    idx = jnp.where(mask, free_idx[rank].astype(idx.dtype), idx)
    # torch: momentum = zeros_like(idx) (int tensor); momentum[~mask] = 0.999 truncates to 0
    momentum = jnp.zeros_like(idx)
    momentum = jnp.where(mask, momentum, jnp.asarray(int(MOMENTUM), idx.dtype))
    return idx, momentum[:, None]

def _moving(x, y, momentum):
    m = momentum.astype(x.dtype)
    return x * m + (1.0 - m) * y

def reference(points, descriptors, mem_points, mem_descriptors, usage):
    idx, momentum = _point_address(points, mem_points, usage)
    # torch 'usage[idx] += 1' is a non-accumulating index_put
    usage = usage.at[idx].set(usage[idx] + 1)
    mem_points = mem_points.at[idx].set(_moving(mem_points[idx], points, momentum))
    mem_descriptors = mem_descriptors.at[idx].set(_moving(mem_descriptors[idx], descriptors, momentum))
    return mem_descriptors[idx]

if __name__ == "__main__":
    import jax
    _d = setup_inputs()
    print(jax.jit(kernel)(*tuple(_d.values())))

</pallas_src>

<mosaic_0001>
#map = affine_map<(d0, d1) -> (0)>
#map1 = affine_map<(d0, d1) -> (0, 0)>
module attributes {stable_mosaic.version = 14 : i64} {
  func.func @k(%arg0: i32, %arg1: i32, %arg2: memref<1024xi32, #tpu.memory_space<hbm>>, %arg3: memref<1024x256xf32, #tpu.memory_space<hbm>>, %arg4: memref<1024x256xf32, #tpu.memory_space<hbm>>, %arg5: memref<32xi32, #tpu.memory_space<vmem>>, %arg6: memref<32x256xf32, #tpu.memory_space<vmem>>, %arg7: memref<!tpu.dma_semaphore, #tpu.memory_space<semaphore_mem>>) attributes {dimension_semantics = [#tpu.dimension_semantics<core_parallel>, #tpu.dimension_semantics<subcore_parallel>], iteration_bounds = array<i64: 2, 16>, scalar_prefetch = 0 : i64, scratch_operands = 3 : i64, tpu.core_type = #tpu.core_type<sc_vector_subcore>, window_params = [{transform_indices = #map}, {transform_indices = #map1}, {transform_indices = #map1}]} {
    %mul3A = arith.constant 2 : i32
    %mul3A_0 = arith.muli %arg1, %mul3A : i32
    %add3A = arith.addi %mul3A_0, %arg0 : i32
    %mul3A_1 = arith.constant 32 : i32
    %mul3A_2 = arith.muli %add3A, %mul3A_1 : i32
    "tpu.region"() ({
      %run_scoped3A = tpu.sem_alloc : memref<!tpu.dma_semaphore, #tpu.memory_space<semaphore_mem>>
      %dma_start3A_7 = tpu.memref_slice %arg2[%mul3A_2] : memref<1024xi32, #tpu.memory_space<hbm>> -> memref<32xi32, #tpu.memory_space<hbm>>
      %dma_start3A_8 = tpu.memref_slice %arg2[%mul3A_2] : memref<1024xi32, #tpu.memory_space<hbm>> -> memref<32xi32, #tpu.memory_space<hbm>>
      tpu.enqueue_dma source(%dma_start3A_8 : memref<32xi32, #tpu.memory_space<hbm>>) target(%arg5 : memref<32xi32, #tpu.memory_space<vmem>>) target_semaphore(%run_scoped3A : memref<!tpu.dma_semaphore, #tpu.memory_space<semaphore_mem>>)
      %dma_wait3A_9 = tpu.memref_slice %arg2[%mul3A_2] : memref<1024xi32, #tpu.memory_space<hbm>> -> memref<32xi32, #tpu.memory_space<hbm>>
      %dma_wait3A_10 = tpu.memref_slice %arg2[%mul3A_2] : memref<1024xi32, #tpu.memory_space<hbm>> -> memref<32xi32, #tpu.memory_space<hbm>>
      tpu.wait_dma2 semaphore(%run_scoped3A : memref<!tpu.dma_semaphore, #tpu.memory_space<semaphore_mem>>) src(%dma_wait3A_10 : memref<32xi32, #tpu.memory_space<hbm>>) dst(%arg5 : memref<32xi32, #tpu.memory_space<vmem>>)
      tpu.yield
    }) : () -> ()
    %dma_start3A = arith.constant 0 : i32
    %dma_start3A_3 = arith.constant 0 : i32
    %dma_start3A_4 = tpu.memref_slice %arg3[%dma_start3A, %dma_start3A_3] : memref<1024x256xf32, #tpu.memory_space<hbm>> -> memref<1024x256xf32, #tpu.memory_space<hbm>>
    tpu.enqueue_indirect_dma source(%dma_start3A_4 : memref<1024x256xf32, #tpu.memory_space<hbm>>) target(%arg6 : memref<32x256xf32, #tpu.memory_space<vmem>>) offsets(%arg5 : memref<32xi32, #tpu.memory_space<vmem>>) semaphore(%arg7 : memref<!tpu.dma_semaphore, #tpu.memory_space<semaphore_mem>>)
    %dma_wait3A = arith.constant 0 : i32
    %dma_wait3A_5 = arith.constant 0 : i32
    %dma_wait3A_6 = tpu.memref_slice %arg3[%dma_wait3A, %dma_wait3A_5] : memref<1024x256xf32, #tpu.memory_space<hbm>> -> memref<1024x256xf32, #tpu.memory_space<hbm>>
    tpu.wait_indirect_dma semaphore(%arg7 : memref<!tpu.dma_semaphore, #tpu.memory_space<semaphore_mem>>) src(%dma_wait3A_6 : memref<1024x256xf32, #tpu.memory_space<hbm>>) dst(%arg6 : memref<32x256xf32, #tpu.memory_space<vmem>>)
    "tpu.region"() ({
      %run_scoped3A = tpu.sem_alloc : memref<!tpu.dma_semaphore, #tpu.memory_space<semaphore_mem>>
      %dma_start3A_7 = arith.constant 0 : i32
      %dma_start3A_8 = tpu.memref_slice %arg4[%mul3A_2, %dma_start3A_7] : memref<1024x256xf32, #tpu.memory_space<hbm>> -> memref<32x256xf32, #tpu.memory_space<hbm>>
      %dma_start3A_9 = arith.constant 0 : i32
      %dma_start3A_10 = tpu.memref_slice %arg4[%mul3A_2, %dma_start3A_9] : memref<1024x256xf32, #tpu.memory_space<hbm>> -> memref<32x256xf32, #tpu.memory_space<hbm>>
      tpu.enqueue_dma source(%arg6 : memref<32x256xf32, #tpu.memory_space<vmem>>) target(%dma_start3A_10 : memref<32x256xf32, #tpu.memory_space<hbm>>) target_semaphore(%run_scoped3A : memref<!tpu.dma_semaphore, #tpu.memory_space<semaphore_mem>>)
      %dma_wait3A_11 = arith.constant 0 : i32
      %dma_wait3A_12 = tpu.memref_slice %arg4[%mul3A_2, %dma_wait3A_11] : memref<1024x256xf32, #tpu.memory_space<hbm>> -> memref<32x256xf32, #tpu.memory_space<hbm>>
      %dma_wait3A_13 = arith.constant 0 : i32
      %dma_wait3A_14 = tpu.memref_slice %arg4[%mul3A_2, %dma_wait3A_13] : memref<1024x256xf32, #tpu.memory_space<hbm>> -> memref<32x256xf32, #tpu.memory_space<hbm>>
      tpu.wait_dma2 semaphore(%run_scoped3A : memref<!tpu.dma_semaphore, #tpu.memory_space<semaphore_mem>>) src(%arg6 : memref<32x256xf32, #tpu.memory_space<vmem>>) dst(%dma_wait3A_14 : memref<32x256xf32, #tpu.memory_space<hbm>>)
      tpu.yield
    }) : () -> ()
    return
  }
}

module attributes {stable_mosaic.version = 14 : i64} {
  func.func @_fused_body(%arg0: i32, %arg1: memref<1024x8xf32, #tpu.memory_space<vmem>>, %arg2: memref<8x4096xf32, #tpu.memory_space<vmem>>, %arg3: memref<1x4096xi32, #tpu.memory_space<vmem>>, %arg4: memref<200x1x512xi32, #tpu.memory_space<vmem>>, %arg5: memref<1x128xf32, #tpu.memory_space<vmem>>, %arg6: memref<1024x1xi32, #tpu.memory_space<vmem>>, %arg7: memref<1024x1xf32, #tpu.memory_space<vmem>>, %arg8: memref<1024x1xi32, #tpu.memory_space<vmem>>, %arg9: memref<1024x8xf32, #tpu.memory_space<vmem>>) attributes {dimension_semantics = [#tpu.dimension_semantics<arbitrary>], iteration_bounds = array<i64: 26>, scalar_prefetch = 0 : i64, scratch_operands = 3 : i64, tpu.core_type = #tpu.core_type<tc>, window_params = [{pipeline_mode = #tpu.pipeline_mode<synchronous>, transform_indices = @transform_0, window_bounds = array<i64: 1024, 8>}, {transform_indices = @transform_1, window_bounds = array<i64: 8, 4096>}, {pipeline_mode = #tpu.pipeline_mode<synchronous>, transform_indices = @transform_2, window_bounds = array<i64: 1, 4096>}, {pipeline_mode = #tpu.pipeline_mode<synchronous>, transform_indices = @transform_3, window_bounds = array<i64: 200, 1, 512>}, {pipeline_mode = #tpu.pipeline_mode<synchronous>, transform_indices = @transform_4, window_bounds = array<i64: 1, 128>}, {pipeline_mode = #tpu.pipeline_mode<synchronous>, transform_indices = @transform_5, window_bounds = array<i64: 1024, 1>}]} {
    %lt3A = arith.constant 25 : i32
    %lt3A_0 = arith.cmpi slt, %arg0, %lt3A : i32
    %convert_element_type3A = arith.extui %lt3A_0 : i1 to i32
    %cond3A = arith.constant 0 : i32
    %cond3A_1 = arith.cmpi ne, %convert_element_type3A, %cond3A : i32
    scf.if %cond3A_1 {
      %get3A = arith.constant 0 : index
      %get3A_6 = arith.constant 0 : index
      %get3A_7 = vector.load %arg2[%get3A, %get3A_6] : memref<8x4096xf32, #tpu.memory_space<vmem>>, vector<8x4096xf32>
      %get3A_8 = arith.constant 0 : index
      %get3A_9 = arith.constant 0 : index
      %get3A_10 = vector.load %arg1[%get3A_8, %get3A_9] : memref<1024x8xf32, #tpu.memory_space<vmem>>, vector<1024x8xf32>
      %dot_general3A = arith.constant dense<0.000000e+00> : vector<1024x4096xf32>
      %dot_general3A_11 = tpu.matmul %get3A_10, %get3A_7, %dot_general3A {dimension_numbers = #tpu.dot_dimension_numbers<[1], [0], [0], [1], [0, 0, 1, 1], [], []>, transpose_lhs_hint = false} : vector<1024x8xf32>, vector<8x4096xf32>, vector<1024x4096xf32> -> vector<1024x4096xf32>
      %mul3A = arith.mulf %get3A_7, %get3A_7 : vector<8x4096xf32>
      %reduce_sum3A = arith.constant dense<0.000000e+00> : vector<4096xf32>
      %reduce_sum3A_12 = vector.multi_reduction <add>, %mul3A, %reduce_sum3A [0] : vector<8x4096xf32> to vector<4096xf32>
      %broadcast_in_dim3A = vector.shape_cast %reduce_sum3A_12 : vector<4096xf32> to vector<1x4096xf32>
      %add3A = vector.broadcast %broadcast_in_dim3A : vector<1x4096xf32> to vector<1024x4096xf32>
      %add3A_13 = arith.addf %dot_general3A_11, %add3A : vector<1024x4096xf32>
      %reduce_min3A = arith.constant dense<0x7F800000> : vector<1024xf32>
      %reduce_min3A_14 = vector.multi_reduction <minimumf>, %add3A_13, %reduce_min3A [1] : vector<1024x4096xf32> to vector<1024xf32>
      %broadcast_in_dim3A_15 = vector.shape_cast %reduce_min3A_14 : vector<1024xf32> to vector<1024x1xf32>
      %bitcast_convert_type3A = tpu.bitcast %add3A_13 : vector<1024x4096xf32> -> vector<1024x4096xi32>
      %and3A = arith.constant -4096 : i32
      %and3A_16 = vector.broadcast %and3A : i32 to vector<1024x4096xi32>
      %and3A_17 = arith.andi %bitcast_convert_type3A, %and3A_16 : vector<1024x4096xi32>
      %get3A_18 = arith.constant 0 : index
      %get3A_19 = arith.constant 0 : index
      %get3A_20 = vector.load %arg3[%get3A_18, %get3A_19] : memref<1x4096xi32, #tpu.memory_space<vmem>>, vector<1x4096xi32>
      %or3A = vector.broadcast %get3A_20 : vector<1x4096xi32> to vector<1024x4096xi32>
      %or3A_21 = arith.ori %and3A_17, %or3A : vector<1024x4096xi32>
      %reduce_min3A_22 = arith.constant dense<2147483647> : vector<1024xi32>
      %reduce_min3A_23 = vector.multi_reduction <minsi>, %or3A_21, %reduce_min3A_22 [1] : vector<1024x4096xi32> to vector<1024xi32>
      %broadcast_in_dim3A_24 = vector.shape_cast %reduce_min3A_23 : vector<1024xi32> to vector<1024x1xi32>
      %and3A_25 = arith.constant 4095 : i32
      %and3A_26 = vector.broadcast %and3A_25 : i32 to vector<1024x1xi32>
      %and3A_27 = arith.andi %broadcast_in_dim3A_24, %and3A_26 : vector<1024x1xi32>
      %mul3A_28 = arith.constant 4096 : i32
      %mul3A_29 = arith.muli %arg0, %mul3A_28 : i32
      %add3A_30 = vector.broadcast %mul3A_29 : i32 to vector<1024x1xi32>
      %add3A_31 = arith.addi %and3A_27, %add3A_30 : vector<1024x1xi32>
      %eq3A_32 = arith.constant 0 : i32
      %eq3A_33 = arith.cmpi eq, %arg0, %eq3A_32 : i32
      %convert_element_type3A_34 = arith.extui %eq3A_33 : i1 to i32
      %cond3A_35 = arith.constant 0 : i32
      %cond3A_36 = arith.cmpi ne, %convert_element_type3A_34, %cond3A_35 : i32
      scf.if %cond3A_36 {
        %swap3A = arith.constant 0 : index
        %swap3A_41 = arith.constant 0 : index
        %swap3A_42 = vector.load %arg7[%swap3A, %swap3A_41] : memref<1024x1xf32, #tpu.memory_space<vmem>>, vector<1024x1xf32>
        tpu.vector_store %arg7[%swap3A, %swap3A_41], %broadcast_in_dim3A_15 {strides = array<i32>} : memref<1024x1xf32, #tpu.memory_space<vmem>>, vector<1024x1xf32>,
        %swap3A_43 = arith.constant 0 : index
        %swap3A_44 = arith.constant 0 : index
        %swap3A_45 = vector.load %arg8[%swap3A_43, %swap3A_44] : memref<1024x1xi32, #tpu.memory_space<vmem>>, vector<1024x1xi32>
        tpu.vector_store %arg8[%swap3A_43, %swap3A_44], %add3A_31 {strides = array<i32>} : memref<1024x1xi32, #tpu.memory_space<vmem>>, vector<1024x1xi32>,
      } else {
      }
      %gt3A = arith.constant 0 : i32
      %gt3A_37 = arith.cmpi sgt, %arg0, %gt3A : i32
      %convert_element_type3A_38 = arith.extui %gt3A_37 : i1 to i32
      %cond3A_39 = arith.constant 0 : i32
      %cond3A_40 = arith.cmpi ne, %convert_element_type3A_38, %cond3A_39 : i32
      scf.if %cond3A_40 {
        %get3A_41 = arith.constant 0 : index
        %get3A_42 = arith.constant 0 : index
        %get3A_43 = vector.load %arg7[%get3A_41, %get3A_42] : memref<1024x1xf32, #tpu.memory_space<vmem>>, vector<1024x1xf32>
        %lt3A_44 = arith.cmpf olt, %broadcast_in_dim3A_15, %get3A_43 : vector<1024x1xf32>
        %select_n3A = arith.select %lt3A_44, %broadcast_in_dim3A_15, %get3A_43 : vector<1024x1xi1>, vector<1024x1xf32>
        %swap3A = arith.constant 0 : index
        %swap3A_45 = arith.constant 0 : index
        %swap3A_46 = vector.load %arg7[%swap3A, %swap3A_45] : memref<1024x1xf32, #tpu.memory_space<vmem>>, vector<1024x1xf32>
        tpu.vector_store %arg7[%swap3A, %swap3A_45], %select_n3A {strides = array<i32>} : memref<1024x1xf32, #tpu.memory_space<vmem>>, vector<1024x1xf32>,
        %get3A_47 = arith.constant 0 : index
        %get3A_48 = arith.constant 0 : index
        %get3A_49 = vector.load %arg8[%get3A_47, %get3A_48] : memref<1024x1xi32, #tpu.memory_space<vmem>>, vector<1024x1xi32>
        %select_n3A_50 = arith.select %lt3A_44, %add3A_31, %get3A_49 : vector<1024x1xi1>, vector<1024x1xi32>
        %swap3A_51 = arith.constant 0 : index
        %swap3A_52 = arith.constant 0 : index
        %swap3A_53 = vector.load %arg8[%swap3A_51, %swap3A_52] : memref<1024x1xi32, #tpu.memory_space<vmem>>, vector<1024x1xi32>
        tpu.vector_store %arg8[%swap3A_51, %swap3A_52], %select_n3A_50 {strides = array<i32>} : memref<1024x1xi32, #tpu.memory_space<vmem>>, vector<1024x1xi32>,
      } else {
      }
    } else {
    }
    %eq3A = arith.constant 25 : i32
    %eq3A_2 = arith.cmpi eq, %arg0, %eq3A : i32
    %convert_element_type3A_3 = arith.extui %eq3A_2 : i1 to i32
    %cond3A_4 = arith.constant 0 : i32
    %cond3A_5 = arith.cmpi ne, %convert_element_type3A_3, %cond3A_4 : i32
    scf.if %cond3A_5 {
      %get3A = arith.constant 0 : index
      %get3A_6 = arith.constant 0 : index
      %get3A_7 = arith.constant 0 : index
      %get3A_8 = vector.load %arg4[%get3A, %get3A_6, %get3A_7] : memref<200x1x512xi32, #tpu.memory_space<vmem>>, vector<200x1x512xi32>
      %reduce_min3A = vector.shape_cast %get3A_8 : vector<200x1x512xi32> to vector<1x200x1x512xi32>
      %reduce_min3A_9 = arith.constant dense<2147483647> : vector<1xi32>
      %reduce_min3A_10 = vector.multi_reduction <minsi>, %reduce_min3A, %reduce_min3A_9 [1, 2, 3] : vector<1x200x1x512xi32> to vector<1xi32>
      %reduce_min3A_11 = vector.shape_cast %reduce_min3A_10 : vector<1xi32> to vector<1x1x1x1xi32>
      %reduce_min3A_12 = vector.extract %reduce_min3A_11[0, 0, 0, 0] : i32 from vector<1x1x1x1xi32>
      %broadcast_in_dim3A = arith.constant 0.000000e+00 : f32
      %broadcast_in_dim3A_13 = vector.broadcast %broadcast_in_dim3A : f32 to vector<1024x8xf32>
      %swap3A = arith.constant 0 : index
      %swap3A_14 = arith.constant 0 : index
      %swap3A_15 = vector.load %arg9[%swap3A, %swap3A_14] : memref<1024x8xf32, #tpu.memory_space<vmem>>, vector<1024x8xf32>
      tpu.vector_store %arg9[%swap3A, %swap3A_14], %broadcast_in_dim3A_13 {strides = array<i32>} : memref<1024x8xf32, #tpu.memory_space<vmem>>, vector<1024x8xf32>,
      %iota3A = tpu.iota {dimensions = array<i32: 0>} : vector<512x512xi32>
      %iota3A_16 = tpu.iota {dimensions = array<i32: 1>} : vector<512x512xi32>
      %le3A = arith.cmpi sle, %iota3A, %iota3A_16 : vector<512x512xi32>
      %convert_element_type3A_17 = arith.extui %le3A : vector<512x512xi1> to vector<512x512xi32>
      %convert_element_type3A_18 = arith.sitofp %convert_element_type3A_17 : vector<512x512xi32> to vector<512x512xf32>
      %iota3A_19 = tpu.iota {dimensions = array<i32: 0>} : vector<1024x512xi32>
      %convert_element_type3A_20 = arith.sitofp %iota3A_19 : vector<1024x512xi32> to vector<1024x512xf32>
      %iota3A_21 = tpu.iota {dimensions = array<i32: 0>} : vector<512x8xi32>
      %convert_element_type3A_22 = arith.sitofp %iota3A_21 : vector<512x8xi32> to vector<512x8xf32>
      %scan3A = arith.constant 0 : i32
      %scan3A_23 = arith.constant 0 : i32
      %scan3A_24 = arith.constant 200 : i32
      %scan3A_25 = arith.addi %scan3A_23, %scan3A_24 : i32
      %scan3A_26 = arith.constant 1 : i32
      %scan3A_27 = scf.for %scan3A_102 = %scan3A_23 to %scan3A_25 step %scan3A_26 iter_args(%scan3A_103 = %scan3A) -> (i32)  : i32 {
        %get3A_104 = arith.index_cast %scan3A_102 : i32 to index
        %get3A_105 = arith.constant 0 : index
        %get3A_106 = arith.constant 0 : index
        %get3A_107 = vector.load %arg4[%get3A_104, %get3A_105, %get3A_106] : memref<200x1x512xi32, #tpu.memory_space<vmem>>, vector<1x1x512xi32>
        %get3A_108 = vector.shape_cast %get3A_107 : vector<1x1x512xi32> to vector<1x512xi32>
        %eq3A_109 = vector.broadcast %reduce_min3A_12 : i32 to vector<1x512xi32>
        %eq3A_110 = arith.cmpi eq, %get3A_108, %eq3A_109 : vector<1x512xi32>
        %lt3A_111 = arith.constant 1024 : i32
        %lt3A_112 = arith.cmpi slt, %scan3A_103, %lt3A_111 : i32
        %convert_element_type3A_113 = arith.extui %lt3A_112 : i1 to i32
        %cond3A_114 = arith.constant 0 : i32
        %cond3A_115 = arith.cmpi ne, %convert_element_type3A_113, %cond3A_114 : i32
        scf.if %cond3A_115 {
          %convert_element_type3A_123 = arith.extui %eq3A_110 : vector<1x512xi1> to vector<1x512xi32>
          %convert_element_type3A_124 = arith.sitofp %convert_element_type3A_123 : vector<1x512xi32> to vector<1x512xf32>
          %dot_general3A_125 = arith.constant dense<0.000000e+00> : vector<1x512xf32>
          %dot_general3A_126 = tpu.matmul %convert_element_type3A_124, %convert_element_type3A_18, %dot_general3A_125 {dimension_numbers = #tpu.dot_dimension_numbers<[1], [0], [0], [1], [0, 0, 1, 1], [], []>, transpose_lhs_hint = false} : vector<1x512xf32>, vector<512x512xf32>, vector<1x512xf32> -> vector<1x512xf32>
          %convert_element_type3A_127 = arith.sitofp %scan3A_103 : i32 to f32
          %add3A_128 = vector.broadcast %convert_element_type3A_127 : f32 to vector<1x512xf32>
          %add3A_129 = arith.addf %dot_general3A_126, %add3A_128 : vector<1x512xf32>
          %add3A_130 = arith.constant 1.000000e+00 : f32
          %add3A_131 = vector.broadcast %add3A_130 : f32 to vector<1024x512xf32>
          %add3A_132 = arith.addf %convert_element_type3A_20, %add3A_131 : vector<1024x512xf32>
          %broadcast_in_dim3A_133 = vector.shape_cast %add3A_129 : vector<1x512xf32> to vector<1x512xf32>
          %broadcast_in_dim3A_134 = vector.broadcast %broadcast_in_dim3A_133 : vector<1x512xf32> to vector<1024x512xf32>
          %eq3A_135 = arith.cmpf oeq, %add3A_132, %broadcast_in_dim3A_134 : vector<1024x512xf32>
          %broadcast_in_dim3A_136 = vector.shape_cast %eq3A_110 : vector<1x512xi1> to vector<1x512xi1>
          %broadcast_in_dim3A_137 = vector.broadcast %broadcast_in_dim3A_136 : vector<1x512xi1> to vector<1024x512xi1>
          %and3A = arith.andi %eq3A_135, %broadcast_in_dim3A_137 : vector<1024x512xi1>
          %jit3A_138 = arith.constant 1.000000e+00 : f32
          %jit3A_139 = arith.constant 0.000000e+00 : f32
          %broadcast_in_dim3A_140 = vector.broadcast %jit3A_138 : f32 to vector<1024x512xf32>
          %broadcast_in_dim3A_141 = vector.broadcast %jit3A_139 : f32 to vector<1024x512xf32>
          %select_n3A_142 = arith.select %and3A, %broadcast_in_dim3A_140, %broadcast_in_dim3A_141 : vector<1024x512xi1>, vector<1024x512xf32>
          %mul3A_143 = arith.constant 512 : i32
          %mul3A_144 = arith.muli %scan3A_102, %mul3A_143 : i32
          %convert_element_type3A_145 = arith.sitofp %mul3A_144 : i32 to f32
          %add3A_146 = vector.broadcast %convert_element_type3A_145 : f32 to vector<512x8xf32>
          %add3A_147 = arith.addf %convert_element_type3A_22, %add3A_146 : vector<512x8xf32>
          %get3A_148 = arith.constant 0 : index
          %get3A_149 = arith.constant 0 : index
          %get3A_150 = vector.load %arg9[%get3A_148, %get3A_149] : memref<1024x8xf32, #tpu.memory_space<vmem>>, vector<1024x8xf32>
          %dot_general3A_151 = arith.constant dense<0.000000e+00> : vector<1024x8xf32>
          %dot_general3A_152 = tpu.matmul %select_n3A_142, %add3A_147, %dot_general3A_151 {dimension_numbers = #tpu.dot_dimension_numbers<[1], [0], [0], [1], [0, 0, 1, 1], [], []>, precision = #tpu.contract_precision<fp32>, transpose_lhs_hint = false} : vector<1024x512xf32>, vector<512x8xf32>, vector<1024x8xf32> -> vector<1024x8xf32>
          %add3A_153 = arith.addf %get3A_150, %dot_general3A_152 : vector<1024x8xf32>
          %swap3A_154 = arith.constant 0 : index
          %swap3A_155 = arith.constant 0 : index
          %swap3A_156 = vector.load %arg9[%swap3A_154, %swap3A_155] : memref<1024x8xf32, #tpu.memory_space<vmem>>, vector<1024x8xf32>
          tpu.vector_store %arg9[%swap3A_154, %swap3A_155], %add3A_153 {strides = array<i32>} : memref<1024x8xf32, #tpu.memory_space<vmem>>, vector<1024x8xf32>,
        } else {
        }
        %convert_element_type3A_116 = arith.extui %eq3A_110 : vector<1x512xi1> to vector<1x512xi32>
        %reduce_sum3A_117 = vector.shape_cast %convert_element_type3A_116 : vector<1x512xi32> to vector<1x1x512xi32>
        %reduce_sum3A_118 = arith.constant dense<0> : vector<1xi32>
        %reduce_sum3A_119 = vector.multi_reduction <add>, %reduce_sum3A_117, %reduce_sum3A_118 [1, 2] : vector<1x1x512xi32> to vector<1xi32>
        %reduce_sum3A_120 = vector.shape_cast %reduce_sum3A_119 : vector<1xi32> to vector<1x1x1xi32>
        %reduce_sum3A_121 = vector.extract %reduce_sum3A_120[0, 0, 0] : i32 from vector<1x1x1xi32>
        %add3A_122 = arith.addi %scan3A_103, %reduce_sum3A_121 : i32
        scf.yield %add3A_122 : i32
      }
      %scan3A_28 = arith.constant 200 : i32
      %iota3A_29 = tpu.iota {dimensions = array<i32: 0>} : vector<1024x1024xi32>
      %iota3A_30 = tpu.iota {dimensions = array<i32: 1>} : vector<1024x1024xi32>
      %eq3A_31 = arith.cmpi eq, %iota3A_29, %iota3A_30 : vector<1024x1024xi32>
      %convert_element_type3A_32 = arith.extui %eq3A_31 : vector<1024x1024xi1> to vector<1024x1024xi32>
      %convert_element_type3A_33 = arith.sitofp %convert_element_type3A_32 : vector<1024x1024xi32> to vector<1024x1024xf32>
      %iota3A_34 = tpu.iota {dimensions = array<i32: 0>} : vector<1024x1024xi32>
      %convert_element_type3A_35 = arith.sitofp %iota3A_34 : vector<1024x1024xi32> to vector<1024x1024xf32>
      %iota3A_36 = tpu.iota {dimensions = array<i32: 1>} : vector<1024x1024xi32>
      %convert_element_type3A_37 = arith.sitofp %iota3A_36 : vector<1024x1024xi32> to vector<1024x1024xf32>
      %get3A_38 = arith.constant 0 : index
      %get3A_39 = arith.constant 0 : index
      %get3A_40 = vector.load %arg1[%get3A_38, %get3A_39] : memref<1024x8xf32, #tpu.memory_space<vmem>>, vector<1024x8xf32>
      %mul3A = arith.mulf %get3A_40, %get3A_40 : vector<1024x8xf32>
      %reduce_sum3A = arith.constant dense<0.000000e+00> : vector<1024xf32>
      %reduce_sum3A_41 = vector.multi_reduction <add>, %mul3A, %reduce_sum3A [1] : vector<1024x8xf32> to vector<1024xf32>
      %broadcast_in_dim3A_42 = vector.shape_cast %reduce_sum3A_41 : vector<1024xf32> to vector<1024x1xf32>
      %mul3A_43 = arith.constant 2.500000e-01 : f32
      %mul3A_44 = vector.broadcast %mul3A_43 : f32 to vector<1024x1xf32>
      %mul3A_45 = arith.mulf %broadcast_in_dim3A_42, %mul3A_44 : vector<1024x1xf32>
      %get3A_46 = arith.constant 0 : index
      %get3A_47 = arith.constant 0 : index
      %get3A_48 = vector.load %arg5[%get3A_46, %get3A_47] : memref<1x128xf32, #tpu.memory_space<vmem>>, vector<1x1xf32>
      %broadcast_in_dim3A_49 = vector.shape_cast %get3A_48 : vector<1x1xf32> to vector<1x1xf32>
      %broadcast_in_dim3A_50 = vector.broadcast %broadcast_in_dim3A_49 : vector<1x1xf32> to vector<1024x1xf32>
      %get3A_51 = arith.constant 0 : index
      %get3A_52 = arith.constant 0 : index
      %get3A_53 = vector.load %arg7[%get3A_51, %get3A_52] : memref<1024x1xf32, #tpu.memory_space<vmem>>, vector<1024x1xf32>
      %sub3A = arith.subf %broadcast_in_dim3A_50, %mul3A_45 : vector<1024x1xf32>
      %add3A = arith.constant 2.000000e-05 : f32
      %add3A_54 = vector.broadcast %add3A : f32 to vector<1024x1xf32>
      %add3A_55 = arith.addf %sub3A, %add3A_54 : vector<1024x1xf32>
      %gt3A = arith.cmpf ogt, %get3A_53, %add3A_55 : vector<1024x1xf32>
      %convert_element_type3A_56 = arith.extui %gt3A : vector<1024x1xi1> to vector<1024x1xi32>
      %convert_element_type3A_57 = arith.sitofp %convert_element_type3A_56 : vector<1024x1xi32> to vector<1024x1xf32>
      %le3A_58 = arith.cmpf ole, %convert_element_type3A_37, %convert_element_type3A_35 : vector<1024x1024xf32>
      %convert_element_type3A_59 = arith.extui %le3A_58 : vector<1024x1024xi1> to vector<1024x1024xi32>
      %convert_element_type3A_60 = arith.sitofp %convert_element_type3A_59 : vector<1024x1024xi32> to vector<1024x1024xf32>
      %dot_general3A = arith.constant dense<0.000000e+00> : vector<1024x1xf32>
      %dot_general3A_61 = tpu.matmul %convert_element_type3A_60, %convert_element_type3A_57, %dot_general3A {dimension_numbers = #tpu.dot_dimension_numbers<[1], [0], [0], [1], [0, 0, 1, 1], [], []>, transpose_lhs_hint = false} : vector<1024x1024xf32>, vector<1024x1xf32>, vector<1024x1xf32> -> vector<1024x1xf32>
      %sub3A_62 = arith.constant 1.000000e+00 : f32
      %sub3A_63 = vector.broadcast %sub3A_62 : f32 to vector<1024x1xf32>
      %sub3A_64 = arith.subf %dot_general3A_61, %sub3A_63 : vector<1024x1xf32>
      %jit3A = arith.constant 0.000000e+00 : f32
      %jit3A_65 = arith.constant 1.023000e+03 : f32
      %max3A = vector.broadcast %jit3A : f32 to vector<1024x1xf32>
      %max3A_66 = arith.maximumf %max3A, %sub3A_64 : vector<1024x1xf32>
      %min3A = vector.broadcast %jit3A_65 : f32 to vector<1024x1xf32>
      %min3A_67 = arith.minimumf %min3A, %max3A_66 : vector<1024x1xf32>
      %broadcast_in_dim3A_68 = vector.shape_cast %min3A_67 : vector<1024x1xf32> to vector<1024x1xf32>
      %broadcast_in_dim3A_69 = vector.broadcast %broadcast_in_dim3A_68 : vector<1024x1xf32> to vector<1024x1024xf32>
      %eq3A_70 = arith.cmpf oeq, %convert_element_type3A_37, %broadcast_in_dim3A_69 : vector<1024x1024xf32>
      %convert_element_type3A_71 = arith.extui %eq3A_70 : vector<1024x1024xi1> to vector<1024x1024xi32>
      %convert_element_type3A_72 = arith.sitofp %convert_element_type3A_71 : vector<1024x1024xi32> to vector<1024x1024xf32>
      %get3A_73 = arith.constant 0 : index
      %get3A_74 = arith.constant 0 : index
      %get3A_75 = vector.load %arg9[%get3A_73, %get3A_74] : memref<1024x8xf32, #tpu.memory_space<vmem>>, vector<1024x8xf32>
      %dot_general3A_76 = arith.constant dense<0.000000e+00> : vector<1024x8xf32>
      %dot_general3A_77 = tpu.matmul %convert_element_type3A_72, %get3A_75, %dot_general3A_76 {dimension_numbers = #tpu.dot_dimension_numbers<[1], [0], [0], [1], [0, 0, 1, 1], [], []>, precision = #tpu.contract_precision<fp32>, transpose_lhs_hint = false} : vector<1024x1024xf32>, vector<1024x8xf32>, vector<1024x8xf32> -> vector<1024x8xf32>
      %slice3A = vector.extract_strided_slice %dot_general3A_77 {offsets = [0, 0], sizes = [1024, 1], strides = [1, 1]} : vector<1024x8xf32> to vector<1024x1xf32>
      %get3A_78 = arith.constant 0 : index
      %get3A_79 = arith.constant 0 : index
      %get3A_80 = vector.load %arg8[%get3A_78, %get3A_79] : memref<1024x1xi32, #tpu.memory_space<vmem>>, vector<1024x1xi32>
      %convert_element_type3A_81 = arith.sitofp %get3A_80 : vector<1024x1xi32> to vector<1024x1xf32>
      %select_n3A = arith.select %gt3A, %slice3A, %convert_element_type3A_81 : vector<1024x1xi1>, vector<1024x1xf32>
      %broadcast_in_dim3A_82 = vector.shape_cast %select_n3A : vector<1024x1xf32> to vector<1024x1xf32>
      %broadcast_in_dim3A_83 = vector.broadcast %broadcast_in_dim3A_82 : vector<1024x1xf32> to vector<1024x1024xf32>
      %mul3A_84 = arith.mulf %convert_element_type3A_33, %broadcast_in_dim3A_83 : vector<1024x1024xf32>
      %reduce_sum3A_85 = arith.constant dense<0.000000e+00> : vector<1024xf32>
      %reduce_sum3A_86 = vector.multi_reduction <add>, %mul3A_84, %reduce_sum3A_85 [0] : vector<1024x1024xf32> to vector<1024xf32>
      %broadcast_in_dim3A_87 = vector.shape_cast %reduce_sum3A_86 : vector<1024xf32> to vector<1x1024xf32>
      %broadcast_in_dim3A_88 = vector.shape_cast %select_n3A : vector<1024x1xf32> to vector<1024x1xf32>
      %broadcast_in_dim3A_89 = vector.broadcast %broadcast_in_dim3A_88 : vector<1024x1xf32> to vector<1024x1024xf32>
      %broadcast_in_dim3A_90 = vector.shape_cast %broadcast_in_dim3A_87 : vector<1x1024xf32> to vector<1x1024xf32>
      %broadcast_in_dim3A_91 = vector.broadcast %broadcast_in_dim3A_90 : vector<1x1024xf32> to vector<1024x1024xf32>
      %eq3A_92 = arith.cmpf oeq, %broadcast_in_dim3A_89, %broadcast_in_dim3A_91 : vector<1024x1024xf32>
      %jit3A_93 = arith.constant -1.000000e+00 : f32
      %broadcast_in_dim3A_94 = vector.broadcast %jit3A_93 : f32 to vector<1024x1024xf32>
      %select_n3A_95 = arith.select %eq3A_92, %convert_element_type3A_37, %broadcast_in_dim3A_94 : vector<1024x1024xi1>, vector<1024x1024xf32>
      %reduce_max3A = arith.constant dense<0xFF800000> : vector<1024xf32>
      %reduce_max3A_96 = vector.multi_reduction <maximumf>, %select_n3A_95, %reduce_max3A [1] : vector<1024x1024xf32> to vector<1024xf32>
      %broadcast_in_dim3A_97 = vector.shape_cast %reduce_max3A_96 : vector<1024xf32> to vector<1024x1xf32>
      %convert_element_type3A_98 = arith.fptosi %broadcast_in_dim3A_97 : vector<1024x1xf32> to vector<1024x1xi32>
      %swap3A_99 = arith.constant 0 : index
      %swap3A_100 = arith.constant 0 : index
      %swap3A_101 = vector.load %arg6[%swap3A_99, %swap3A_100] : memref<1024x1xi32, #tpu.memory_space<vmem>>, vector<1024x1xi32>
      tpu.vector_store %arg6[%swap3A_99, %swap3A_100], %convert_element_type3A_98 {strides = array<i32>} : memref<1024x1xi32, #tpu.memory_space<vmem>>, vector<1024x1xi32>,
    } else {
    }
    return
  }
  func.func @transform_0(%arg0: i32) -> (i32, i32) {
    %c0_i32 = arith.constant 0 : i32
    %c0_i32_0 = arith.constant 0 : i32
    %c0_i32_1 = arith.constant 0 : i32
    return %c0_i32, %c0_i32_0 : i32, i32
  }
  func.func @transform_1(%arg0: i32) -> (i32, i32) {
    %min3A = arith.constant 24 : i32
    %min3A_0 = arith.minsi %arg0, %min3A : i32
    %c0_i32 = arith.constant 0 : i32
    %c0_i32_1 = arith.constant 0 : i32
    return %c0_i32, %min3A_0 : i32, i32
  }
  func.func @transform_2(%arg0: i32) -> (i32, i32) {
    %c0_i32 = arith.constant 0 : i32
    %c0_i32_0 = arith.constant 0 : i32
    %c0_i32_1 = arith.constant 0 : i32
    return %c0_i32, %c0_i32_0 : i32, i32
  }
  func.func @transform_3(%arg0: i32) -> (i32, i32, i32) {
    %c0_i32 = arith.constant 0 : i32
    %c0_i32_0 = arith.constant 0 : i32
    %c0_i32_1 = arith.constant 0 : i32
    %c0_i32_2 = arith.constant 0 : i32
    return %c0_i32, %c0_i32_0, %c0_i32_1 : i32, i32, i32
  }
  func.func @transform_4(%arg0: i32) -> (i32, i32) {
    %c0_i32 = arith.constant 0 : i32
    %c0_i32_0 = arith.constant 0 : i32
    %c0_i32_1 = arith.constant 0 : i32
    return %c0_i32, %c0_i32_0 : i32, i32
  }
  func.func @transform_5(%arg0: i32) -> (i32, i32) {
    %c0_i32 = arith.constant 0 : i32
    %c0_i32_0 = arith.constant 0 : i32
    %c0_i32_1 = arith.constant 0 : i32
    return %c0_i32, %c0_i32_0 : i32, i32
  }
}

</mosaic_0001>

<sc_bundles>
// kernel: kernel.4.cloned.1.call-start
scs
__scs_entry_jumppad:
0x0: {  	(pc) =	sbr.rel $0x88, $3  }
0x1: {  	(tag) =	ssettag $0x0;
	lr =	simm.s32 $0x1  }
0x2: {  	[smem:$0x3F9D] =	sst lr;
	_ =	strace $0xD0000000  }
0x3: {  	_ = 	snop  }
0x4: {  	_ = 	snop  }
0x5: {  	_ = 	snop  }
0x6: {  	_ = 	snop  }
0x7: {  	_ = 	snop  }
__scs_overlays_trampoline_lowered:
0x8: {  	[smem:$0x3FAC] =	sst s0  }
0x9: {  	[smem:$0x3FAD] =	sst s1  }
0xa: {  	[smem:$0x3FAE] =	sst s2  }
0xb: {  	[smem:$0x3FAF] =	sst s3  }
0xc: {  	[smem:$0x3FB0] =	sst s4  }
0xd: {  	[smem:$0x3FB1] =	sst s5  }
0xe: {  	[smem:$0x3FB2] =	sst s6  }
0xf: {  	[smem:$0x3FB3] =	sst s7  }
0x10: {  	[smem:$0x3FB4] =	sst s8  }
0x11: {  	[smem:$0x3FB5] =	sst s9;
	s0 =	simm.s32 @!p0 $0x0  }
0x12: {  	s1 =	sld [smem:$0x3F9B];
	s0 =	simm.s32 @p0 $0x1  }
0x13: {  	[smem:$0x3FB6] =	sst s0;
	s0 =	simm.s32 @!p1 $0x0  }
0x14: {  	s2 =	sld [smem:$0x3F9A];
	s0 =	simm.s32 @p1 $0x1  }
0x15: {  	[smem:$0x3FB7] =	sst s0;
	s0 =	simm.s32 @!p2 $0x0  }
0x16: {  	s3 =	sld [smem:$0x3FDB];
	s0 =	simm.s32 @p2 $0x1  }
0x17: {  	s4 =	simm.s32 $0x1BF5;
	[smem:$0x3FB9] =	sst s0  }
0x18: {  	s0 =	sld [smem:$0x3F9C];
	_ =	swait.ge [sflag:s4], $0x0  }
0x19: {  	s7 =	sld [smem:$0x3F9D]  }
0x1a: {  	s8 =	sadd.s32 $0xFFFFE003, lr  }
0x1b: {  	s9 =	sadd.s32 $0xFFFFFEF7, lr;
	s5 =	simm.s32 $0xFFFFFFFF;
	p2 =	slt.u32 s8, $0xFFFFF086  }
0x1c: {  	p1 =	slt.u32 s9, $0xF7A;
	s5 =	simm.s32 @!p2 $0x0  }
0x1d: {  	s5 =	simm.s32 @p1 $0x1;
	p0 =	seq.s32 s7, s2  }
0x1e: {  	s7 =	smul.u32 @!p0 $0xF7A, s2;
	p2 =	seq.s32 @!p0 s5, $0x0  }
0x1f: {  	s9 =	smul.u32 $0xF7A, s1;
	s8 =	simm.s32 @!p0 $0x1BF5;
	p2 =	por !p2, p0  }
0x20: {  	[sflag:s8] =	ssyncset.s32 @!p0 $0xFFFFF086;
	s6 =	sadd.s32 @!p0 s3, s7;
	s7 =	simm.s32 @!p0 $0x108  }
0x21: {  	s3 =	sadd.s32 s3, s9;
	s6 =	sadd.s32 @!p0 $0x88, s6;
	s7 =	simm.s32 @p2 $0x1082  }
0x22: {  	[simem:s7], [sflag:s8] =	dma.local @!p0 [hbm:s6], $0xF7A  }
0x23: {  	s9 =	sor.u32 $0xD0000000, s2;
	s6 =	simm.s32 $0x108;
	_ =	swait.ge @!p0 [sflag:s8], $0x0  }
0x24: {  	s3 =	sadd.s32 $0x88, s3;
	s6 =	simm.s32 @!p1 $0x1082;
	[sflag:s4] =	ssyncset.s32 $0xFFFFF086  }
0x25: {  	[simem:s6], [sflag:s4] =	dma.local [hbm:s3], $0xF7A  }
0x26: {  	[smem:$0x3F9D] =	sst s1;
	(tag) =	ssettag s2;
	_ =	strace s9  }
0x27: {  	s1 =	sld [smem:$0x3FAD]  }
0x28: {  	s2 =	sld [smem:$0x3FAE]  }
0x29: {  	s4 =	sld [smem:$0x3FB0]  }
0x2a: {  	p0 =	seq.s32 s5, $0x0;
	s5 =	sld [smem:$0x3FB1]  }
0x2b: {  	s6 =	sld [smem:$0x3FB2]  }
0x2c: {  	s7 =	sld [smem:$0x3FB3]  }
0x2d: {  	s3 =	simm.s32 $0x108;
	s8 =	sld [smem:$0x3FB4]  }
0x2e: {  	s3 =	simm.s32 @!p0 $0x1082;
	s9 =	sld [smem:$0x3FB5]  }
0x2f: {  	lr =	sadd.s32 s0, s3;
	s0 =	sld [smem:$0x3FAC]  }
0x30: {  	s3 =	sld [smem:$0x3FAF]  }
0x31: {  	[smem:$0x3FB8] =	sst s10  }
0x32: {  	s10 =	sld [smem:$0x3FB6];
	_ =	sdelay $0x3  }
0x33: {  	p0 =	seq.s32 s10, $0x1;
	s10 =	sld [smem:$0x3FB8];
	_ =	sdelay $0x3  }
0x34: {  	[smem:$0x3FB8] =	sst s10  }
0x35: {  	s10 =	sld [smem:$0x3FB7];
	_ =	sdelay $0x3  }
0x36: {  	p1 =	seq.s32 s10, $0x1;
	s10 =	sld [smem:$0x3FB8];
	_ =	sdelay $0x3  }
0x37: {  	[smem:$0x3FB8] =	sst s10  }
0x38: {  	s10 =	sld [smem:$0x3FB9]  }
0x39: {  	_ = 	snop;
	(pc) =	sbr.ind lr, $3  }
0x3a: {  	_ = 	snop  }
0x3b: {  	_ = 	snop  }
0x3c: {  	p2 =	seq.s32 s10, $0x1;
	s10 =	sld [smem:$0x3FB8]  }
0x3d: {  	_ =	shalt  }
0x3e: {  	_ =	shalt  }
0x3f: {  	_ =	shalt  }
0x40: {  	_ =	shalt  }
0x41: {  	_ =	shalt  }
0x42: {  	_ =	shalt  }
0x43: {  	_ =	shalt  }
0x44: {  	_ =	shalt  }
0x45: {  	_ =	shalt  }
0x46: {  	_ =	shalt  }
0x47: {  	_ =	shalt  }
0x48: {  	_ =	shalt  }
0x49: {  	_ =	shalt  }
0x4a: {  	_ =	shalt  }
0x4b: {  	_ =	shalt  }
0x4c: {  	_ =	shalt  }
0x4d: {  	_ =	shalt  }
0x4e: {  	_ =	shalt  }
0x4f: {  	_ =	shalt  }
0x50: {  	_ =	shalt  }
0x51: {  	_ =	shalt  }
0x52: {  	_ =	shalt  }
0x53: {  	_ =	shalt  }
0x54: {  	_ =	shalt  }
0x55: {  	_ =	shalt  }
0x56: {  	_ =	shalt  }
0x57: {  	_ =	shalt  }
0x58: {  	_ =	shalt  }
0x59: {  	_ =	shalt  }
0x5a: {  	_ =	shalt  }
0x5b: {  	_ =	shalt  }
0x5c: {  	_ =	shalt  }
0x5d: {  	_ =	shalt  }
0x5e: {  	_ =	shalt  }
0x5f: {  	_ =	shalt  }
0x60: {  	_ =	shalt  }
0x61: {  	_ =	shalt  }
0x62: {  	_ =	shalt  }
0x63: {  	_ =	shalt  }
0x64: {  	_ =	shalt  }
0x65: {  	_ =	shalt  }
0x66: {  	_ =	shalt  }
0x67: {  	_ =	shalt  }
0x68: {  	_ =	shalt  }
0x69: {  	_ =	shalt  }
0x6a: {  	_ =	shalt  }
0x6b: {  	_ =	shalt  }
0x6c: {  	_ =	shalt  }
0x6d: {  	_ =	shalt  }
0x6e: {  	_ =	shalt  }
0x6f: {  	_ =	shalt  }
0x70: {  	_ =	shalt  }
0x71: {  	_ =	shalt  }
0x72: {  	_ =	shalt  }
0x73: {  	_ =	shalt  }
0x74: {  	_ =	shalt  }
0x75: {  	_ =	shalt  }
0x76: {  	_ =	shalt  }
0x77: {  	_ =	shalt  }
0x78: {  	_ =	shalt  }
0x79: {  	_ =	shalt  }
0x7a: {  	_ =	shalt  }
0x7b: {  	_ =	shalt  }
0x7c: {  	_ =	shalt  }
0x7d: {  	_ =	shalt  }
0x7e: {  	_ =	shalt  }
0x7f: {  	_ =	shalt  }
0x80: {  	_ =	shalt  }
0x81: {  	_ =	shalt  }
0x82: {  	_ =	shalt  }
0x83: {  	_ =	shalt  }
0x84: {  	_ =	shalt  }
0x85: {  	_ =	shalt  }
0x86: {  	_ =	shalt  }
0x87: {  	_ =	shalt  }
.Lfunc_end0:
.L_simem_size_0:
called_computation_lowered:
.L_overlay_start_0:
0x88: {  	s2 =	sld [smem:$0x3FD9]  }
0x89: {  	s3 =	sld [smem:$0x3FFE];
	_ =	sdelay $0x1  }
0x8a: {  	s1 =	srdreg.scid  }
0x8b: {  	s0 =	sand.u32 $0x1, s1  }
0x8c: {  	s17 =	sshll.u32 s0, $0xA;
	s2 =	sadd.s32 s3, s2  }
0x8d: {  	s2 =	sadd.s32 s2, s17  }
0x8e: {  	[smem:$0x3FC4] =	sst s2  }
0x8f: {  	_ = 	snop  }
0x90: {  	s2 =	sld [smem:$0x3FC8]  }
0x91: {  	s18 =	sld [smem:$0x3FD0];
	(tm) =	ssettm $0x1  }
0x92: {  	s4 =	sld [smem:$0x3FFB];
	_ =	sdelay $0x3  }
0x93: {  	_ =	strace s4  }
0x94: {  	s4 =	sld [smem:$0x3FFC];
	_ =	sdelay $0x3  }
0x95: {  	_ =	strace s4  }
0x96: {  	s4 =	sld [smem:$0x3FFD];
	_ =	sdelay $0x3  }
0x97: {  	_ =	strace s4  }
0x98: {  	_ =	strace $0x8FFFFFFF  }
0x99: {  	s19 =	sld [smem:$0x3FDB];
	_ =	sdelay $0x1  }
0x9a: {  	s5 =	simm.s32 $_scs_section_size  }
0x9b: {  	s6 =	simm.s32 $_size__tile_overlayer_lowered;
	s7 =	simm.s32 $_tile_overlayer_lowered  }
0x9c: {  	s22 =	simm.s32 $0x1BFF;
	s21 =	sshll.u32 s7, $0x1;
	s4 =	sadd.s32 s5, s19  }
0x9d: {  	s8 =	simm.s32 $0x0;
	s20 =	sshll.u32 s6, $0x1;
	s6 =	sadd.s32 s21, s4  }
0x9e: {  	[timem:s8], [sflag:s22] =	dma.local [hbm:s6], s20  }
0x9f: {  	_ =	swait.ge [sflag:s22], s20  }
0xa0: {  	s5 =	ssub.s32 $0x0, s20;
	[sflag:s22] =	ssyncset.done $0x0  }
0xa1: {  	[sflag:s22] =	ssyncadd.s32 s5;
	_ =	sdelay $0x1  }
0xa2: {  	s23 =	simm.s32 $0x1B8B  }
0xa3: {  	_ =	swait.ge [sflag:s23], $0x1  }
0xa4: {  	[sflag:s23] =	ssyncset.done $0x0  }
0xa5: {  	s25 =	simm.s32 $0x1B8E;
	s24 =	sld [smem:$0x3FFE];
	[sflag:s23] =	ssyncadd.s32 $0xFFFFFFFF  }
0xa6: {  	s26 =	simm.s32 $execute0_lowered;
	[smem:$0x3FD2] =	sst s25  }
0xa7: {  	s6 =	sshll.u32 s26, $0x1;
	_ =	strace $0x80000046;
	[dreg:$0x1] =	wrdreg $0xFFFFFFFF  }
0xa8: {  	s28 =	simm.s32 $_size_execute0_lowered;
	s4 =	sadd.s32 s4, s6;
	[dreg:$0x0] =	wrdreg $0x0  }
0xa9: {  	s6 =	sshll.u32 s28, $0x1;
	[dreg:$0x2] =	wrdreg s4  }
0xaa: {  	[dreg:$0x3] =	wrdreg s6  }
0xab: {  	[dreg:$0x4] =	wrdreg $0xC0  }
0xac: {  	_ =	task [dreg:s8], $0x5FFFF  }
0xad: {  	[dreg:$0x1] =	wrdreg $0xFFFFFFFF  }
0xae: {  	[dreg:$0x0] =	wrdreg $0x60  }
0xaf: {  	[dreg:$0x2] =	wrdreg s24  }
0xb0: {  	[dreg:$0x3] =	wrdreg s2  }
0xb1: {  	[dreg:$0x4] =	wrdreg s18  }
0xb2: {  	[dreg:$0x5] =	wrdreg $0x9  }
0xb3: {  	_ =	task.clear_ibuf [dreg:s8], $0x6FFFF;
	_ =	strace $0x90000046  }
0xb4: {  	s29 =	simm.s32 $0x9;
	_ =	strace $0x80000048  }
0xb5: {  	_ =	swait.ge [sflag:s29], $0x1  }
0xb6: {  	[sflag:s29] =	ssyncadd.s32 $0xFFFFFFFF  }
0xb7: {  	_ =	strace $0x90000048  }
0xb8: {  	_ =	sfence  }
0xb9: {  	s30 =	sld [smem:$0x0];
	_ =	sdelay $0x2  }
0xba: {  	s31 =	sshll.u32 s1, $0xD;
	s1 =	sshrl.u32 s1, $0x2  }
0xbb: {  	s3 =	sand.u32 $0x4000, s31;
	s1 =	sadd.s32 s1, s30  }
0xbc: {  	s0 =	sor.u32 s3, s0;
	s1 =	sshll.u32 s1, $0x11  }
0xbd: {  	s0 =	sor.u32 s1, s0  }
0xbe: {  	s0 =	sadd.s32 $0x8F2B, s0  }
0xbf: {  	[sflag:s0] =	ssyncadd.remote.s32 $0x1  }
0xc0: {  	_ =	sfence.sel $0xFFFF  }
0xc1: {  	[dreg:$0x0] =	wrdreg $0xFFFFFFFF;
	(pc) =	sbr.abs _section_cstart, $3  }
0xc2: {  	[dreg:$0x1] =	wrdreg $0xFFFFFFFF  }
0xc3: {  	_ =	task.clear_ibuf [dreg:s8], $0x2FFFF;
	_ =	strace $0x9FFFFFFF  }
0xc4: {  	(tm) =	ssettm $0x7FFFFFFF  }
0xc5: {  	_ =	shalt  }
tec
execute0_lowered:
.L_overlay_start_1:
0x0: {  	(tag) =	ssettag $0x1  }
0x1: {  	s4 =	rddreg [dreg:$0x0]  }
0x2: {  	s1 =	rddreg [dreg:$0x1]  }
0x3: {  	s5 =	rddreg [dreg:$0x2]  }
0x4: {  	s0 =	rddreg [dreg:$0x3];
	s3 =	simm.s32 $0x0;
	s6 =	srdreg.scid  }
0x5: {  	s2 =	stileid.u32;
	s10 =	simm.s32 $0x1080;
	s11 =	simm.s32 $0x1880  }
0x6: {  	s12 =	simm.s32 $0x1;
	[smem:$0x7FF] =	sst s3;
	s6 =	sand.u32 $0x1, s6  }
0x7: {  	s8 =	sshll.u32 s2, $0x6;
	s7 =	ssub.s32 $0x2, s6;
	s6 =	sshll.u32 s6, $0x5  }
0x8: {  	_ =	strace $0x80000047;
	s9 =	sshrl.u32 s7, $0x1;
	s6 =	sor.u32 s6, s8  }
0x9: {  	v2 =	vlaneseq.u32;
	s7 =	ssub.s32 s7, s9;
	s8 =	sshrl.u32 s6, $0x3;
	s6 =	sshll.u32 s6, $0x5  }
0xa: {  	vm0 =	vmmov $0xffff;
	v1 =	vshrl.u32 v2, $0x3;
	s9 =	simm.s32 $0x880;
	s4 =	sadd.s32 s4, s8;
	s5 =	sadd.s32 s5, s6  }
0xb: {  	v0 =	vand.u32 $0x7, v2;
	v2 =	vor.u32 $0x8, v2;
	v1 =	vmul.u32 $0x8, v1;
	s6 =	smax.u32 s7, $0x1;
	s7 =	simm.s32 $0x2;
	s8 =	simm.s32 $0x80  }
.LBB2_1:
0xc: {  	[tilespmem:s3], [sflag:$0x2] =	stream.linear.gather [hbm4b:s4+s3], $0x20, $0x38;
	[tilespmem:$0x2080] =	vst v63  }
0xd: {  	_ =	swait.ge [sflag:s7], $0x20  }
0xe: {  	[sflag:s7] =	ssyncset.done $0x0  }
0xf: {  	[sflag:s7] =	ssyncadd.s32 $0xFFFFFFE0  }
0x10: {  	v3 =	vld [tilespmem:$0x0];
	_ =	sdelay $0x4  }
0x11: {  	v4 =	vshll.u32 v3, $0x1  }
0x12: {  	v3 =	vand.u32 $0x7, v3;
	v4 =	vand.u32 $0xFFFFFFF0, v4  }
0x13: {  	v3 =	vor.u32 v3, v4  }
0x14: {  	v4 =	vperm.xlane v3, v0;
	_ =	sdelay $0x1  }
0x15: {  	v3 =	vperm.xlane v3, v2;
	v4 =	vadd.s32 v1, v4;
	_ =	sdelay $0x1  }
0x16: {  	v3 =	vadd.s32 v1, v3;
	_ =	sdelay $0x2  }
0x17: {  	[tilespmem:s8], [sflag:$0x1] =	stream.indirect_vreg.gather [hbm4b:s1+s3], $0x80, v4, vm0, $0xb8;
	[tilespmem:$0x2080] =	vst v63  }
0x18: {  	_ = 	snop  }
0x19: {  	[tilespmem:s9], [sflag:$0x1] =	stream.indirect_vreg.gather [hbm4b:s1+s3], $0x80, v3, vm0, $0xb8;
	[tilespmem:$0x2080] =	vst v63  }
0x1a: {  	v3 =	vld [tilespmem:$0x10];
	_ =	sdelay $0x4  }
0x1b: {  	v63 =	vshll.u32 v3, $0x1  }
0x1c: {  	v3 =	vand.u32 $0x7, v3;
	v4 =	vand.u32 $0xFFFFFFF0, v63  }
0x1d: {  	v3 =	vor.u32 v3, v4  }
0x1e: {  	v4 =	vperm.xlane v3, v0;
	_ =	sdelay $0x1  }
0x1f: {  	v3 =	vperm.xlane v3, v2;
	v4 =	vadd.s32 v1, v4;
	_ =	sdelay $0x1  }
0x20: {  	v3 =	vadd.s32 v1, v3;
	_ =	sdelay $0x2  }
0x21: {  	[tilespmem:s10], [sflag:$0x1] =	stream.indirect_vreg.gather [hbm4b:s1+s3], $0x80, v4, vm0, $0xb8;
	[tilespmem:$0x2080] =	vst v63  }
0x22: {  	_ = 	snop  }
0x23: {  	[tilespmem:s11], [sflag:$0x1] =	stream.indirect_vreg.gather [hbm4b:s1+s3], $0x80, v3, vm0, $0xb8;
	[tilespmem:$0x2080] =	vst v63  }
0x24: {  	_ =	swait.ge [sflag:s12], $0x2000  }
0x25: {  	p0 =	sne.s32 s6, $0x1;
	[sflag:s12] =	ssyncset.done $0x0  }
.Ltmp0:
0x26: {  	[sflag:s12] =	ssyncadd.s32 $0xFFFFE000;
	(pc) =	sbr.rel @p0 .LBB2_1-.Ltmp0, $4  }
0x27: {  	[hbm4b:s5+s3] =	stream.linear.scatter [tilespmem:s8], [sflag:$0x2], $0x2000, $0x38;
	[tilespmem:$0x2080] =	vst v63  }
0x28: {  	_ =	swait.ge [sflag:s7], $0x2000  }
0x29: {  	[sflag:s7] =	ssyncset.done $0x0  }
0x2a: {  	s6 =	sadd.s32 $0xFFFFFFFF, s6;
	[sflag:s7] =	ssyncadd.s32 $0xFFFFE000  }
0x2b: {  	_ =	sfence.sel $0x180000  }
0x2c: {  	[bflag:$0x0] =	sbarrier.arrive $0xFFFF  }
0x2d: {  	p0 =	sne.s32 s2, $0x0;
	_ =	strace $0x90000047  }
0x2e: {  	s0 =	sadd.s32 @!p0 $0x100000, s0;
	[bflag:$0x2] =	sbarrier.arrive $0xFFFF  }
0x2f: {  	[sflag:s0] =	ssyncadd.tile.s32 @!p0 $0x1;
	_ =	shalt  }
.Lfunc_end2:
_tile_overlayer_lowered:
.L_overlay_start_2:
0x30: {  	(tag) =	ssettag $0x2  }
0x31: {  	s0 =	rddreg [dreg:$0x0];
	s2 =	stileid.u32  }
0x32: {  	s1 =	rddreg [dreg:$0x1];
	p0 =	sne.s32 s2, $0x0  }
0x33: {  	s3 =	rddreg [dreg:$0x2];
	[bflag:$0x3] =	sbarrier.arrive $0xFFFF;
	s2 =	simm.s32 @!p0 $0x1C02  }
0x34: {  	[timem:s3], [sflag:s2] =	dma.local @!p0 [hbm:s0], s1  }
0x35: {  	s0 =	simm.s32 @!p0 $0x2  }
0x36: {  	_ =	swait.ge @!p0 [sflag:s0], s1  }
0x37: {  	s1 =	ssub.s32 @!p0 $0x0, s1;
	[sflag:s0] =	ssyncset.done @!p0 $0x0  }
0x38: {  	[sflag:s0] =	ssyncadd.s32 @!p0 s1  }
0x39: {  	[bflag:$0x3] =	sbarrier.arrive $0xFFFF  }
0x3a: {  	_ =	shalt  }

</sc_bundles>
